<compile_context>
chip_gen: v7x
topology: tpu7x:2x2x1
jax: 0.10.2.dev20260603
libtpu: 0.0.44.dev20260713+nightly
codegen_flags: <defaults>
</compile_context>

<pallas_src>
import functools

import jax
import jax.numpy as jnp
from jax import lax
from jax.experimental import pallas as pl
from jax.experimental.pallas import tpu as pltpu
from jax.experimental.pallas import tpu_sc as plsc

N_NODES = 10000
N_EDGES = 320000
NUM_ELEMENTS = 100
HIDDEN = 128
NUM_RADIAL = 16

EDGE_BLOCK = 16000

NC = 2
NS = 16
NW = NC * NS
CHUNK = 80
TOTAL_CHUNKS = N_NODES // CHUNK
MAX_ROUNDS = -(-TOTAL_CHUNKS // NW)


def _proj_kernel(rb_ref, w_ref, b_ref, s_ref, t_ref, m_ref):
    rb = rb_ref[...]
    for k, o_ref in enumerate((s_ref, t_ref, m_ref)):
        y = jnp.dot(rb, w_ref[..., k * HIDDEN:(k + 1) * HIDDEN],
                    preferred_element_type=jnp.float32)
        o_ref[...] = y + b_ref[..., k * HIDDEN:(k + 1) * HIDDEN]


@functools.partial(
    pl.kernel,
    mesh=plsc.VectorSubcoreMesh(core_axis_name="c", subcore_axis_name="s"),
    out_type=jax.ShapeDtypeStruct((N_NODES, HIDDEN), jnp.float32),
    scratch_types=[
        pltpu.VMEM((CHUNK,), jnp.int32),
        pltpu.VMEM((CHUNK, HIDDEN), jnp.float32),
        pltpu.SemaphoreType.DMA,
    ],
)
def _sc_gather(idx_hbm, table_hbm, out_hbm, idx_v, rows_v, sem):
    wid = lax.axis_index("s") * NC + lax.axis_index("c")
    for r in range(MAX_ROUNDS):
        c = wid + r * NW

        @pl.when(c < TOTAL_CHUNKS)
        def _():
            base = c * CHUNK
            pltpu.sync_copy(idx_hbm.at[pl.ds(base, CHUNK)], idx_v)
            pltpu.async_copy(table_hbm.at[idx_v], rows_v, sem).wait()
            pltpu.sync_copy(rows_v, out_hbm.at[pl.ds(base, CHUNK)])


def kernel(atomic_numbers, radial_basis, emb_table, W, b):
    idx = atomic_numbers.astype(jnp.int32) - 1
    h = _sc_gather(idx, emb_table)

    rb16 = radial_basis.astype(jnp.bfloat16)
    w16 = W.astype(jnp.bfloat16)
    b2 = b.reshape(1, HIDDEN * 3)
    grid_e = N_EDGES // EDGE_BLOCK
    out_block = pl.BlockSpec((EDGE_BLOCK, HIDDEN), lambda i: (i, 0))
    s, t, m = pl.pallas_call(
        _proj_kernel,
        grid=(grid_e,),
        in_specs=[
            pl.BlockSpec((EDGE_BLOCK, NUM_RADIAL), lambda i: (i, 0)),
            pl.BlockSpec((NUM_RADIAL, HIDDEN * 3), lambda i: (0, 0)),
            pl.BlockSpec((1, HIDDEN * 3), lambda i: (0, 0)),
        ],
        out_specs=[out_block, out_block, out_block],
        out_shape=[jax.ShapeDtypeStruct((N_EDGES, HIDDEN), jnp.float32)] * 3,
        compiler_params=pltpu.CompilerParams(
            vmem_limit_bytes=100 * 1024 * 1024),
    )(rb16, w16, b2)

    return (h, m, s, t)

# --- scband reference (transcript-rebuilt; emitter-appended) ---
"""Pipeline reference for scband-embedding-block-7275674599721 (READ-ONLY COPY).

The authoritative reference and input builder live on the scoring server;
editing this copy changes nothing except your own understanding.
"""

import jax, jax.numpy as jnp
import numpy as np

N_NODES = 10000
N_EDGES = 320000
NUM_ELEMENTS = 100
HIDDEN = 128
NUM_RADIAL = 16


def setup_inputs(seed: int = 0) -> dict:
    key = jax.random.key(seed)
    k1, k2, k3, k4, k5 = jax.random.split(key, 5)
    # atomic_numbers in [1, 100) so that (atomic_numbers - 1) is a valid row index in [0, 99)
    atomic_numbers = jax.random.randint(k1, (N_NODES,), 1, NUM_ELEMENTS, dtype=jnp.int64) if jax.config.jax_enable_x64 else jax.random.randint(k1, (N_NODES,), 1, NUM_ELEMENTS).astype(jnp.int32)
    radial_basis = jax.random.normal(k2, (N_EDGES, NUM_RADIAL), dtype=jnp.float32)
    # learned parameters
    emb_table = jax.random.normal(k3, (NUM_ELEMENTS, HIDDEN), dtype=jnp.float32)
    W = jax.random.normal(k4, (NUM_RADIAL, HIDDEN * 3), dtype=jnp.float32) * (1.0 / np.sqrt(NUM_RADIAL))
    b = jax.random.normal(k5, (HIDDEN * 3,), dtype=jnp.float32) * 0.01
    return {"atomic_numbers": atomic_numbers, "radial_basis": radial_basis,
            "emb_table": emb_table, "W": W, "b": b}


def reference(atomic_numbers, radial_basis, emb_table, W, b):
    # h = self.atom_embedding(atomic_numbers - 1)
    h = jnp.take(emb_table, atomic_numbers - 1, axis=0)
    # edge_emb = self.edge_proj(radial_basis)
    edge_emb = radial_basis @ W + b
    # s, t, m = torch.split(edge_emb, hidden, dim=-1)
    s = edge_emb[:, :HIDDEN]
    t = edge_emb[:, HIDDEN:2 * HIDDEN]
    m = edge_emb[:, 2 * HIDDEN:]
    return (h, m, s, t)

if __name__ == "__main__":
    import jax
    _d = setup_inputs()
    print(jax.jit(kernel)(*tuple(_d.values())))

</pallas_src>

<mosaic_0001>
#map = affine_map<(d0, d1) -> (0)>
#map1 = affine_map<(d0, d1) -> (0, 0)>
module attributes {stable_mosaic.version = 14 : i64} {
  func.func @_sc_gather(%arg0: i32, %arg1: i32, %arg2: memref<10000xi32, #tpu.memory_space<hbm>>, %arg3: memref<100x128xf32, #tpu.memory_space<hbm>>, %arg4: memref<10000x128xf32, #tpu.memory_space<hbm>>, %arg5: memref<80xi32, #tpu.memory_space<vmem>>, %arg6: memref<80x128xf32, #tpu.memory_space<vmem>>, %arg7: memref<!tpu.dma_semaphore, #tpu.memory_space<semaphore_mem>>) attributes {dimension_semantics = [#tpu.dimension_semantics<core_parallel>, #tpu.dimension_semantics<subcore_parallel>], iteration_bounds = array<i64: 2, 16>, scalar_prefetch = 0 : i64, scratch_operands = 3 : i64, tpu.core_type = #tpu.core_type<sc_vector_subcore>, window_params = [{transform_indices = #map}, {transform_indices = #map1}, {transform_indices = #map1}]} {
    %mul3A = arith.constant 2 : i32
    %mul3A_0 = arith.muli %arg1, %mul3A : i32
    %add3A = arith.addi %mul3A_0, %arg0 : i32
    %add3A_1 = arith.constant 0 : i32
    %add3A_2 = arith.addi %add3A, %add3A_1 : i32
    %lt3A = arith.constant 125 : i32
    %lt3A_3 = arith.cmpi slt, %add3A_2, %lt3A : i32
    %convert_element_type3A = arith.extui %lt3A_3 : i1 to i32
    %cond3A = arith.constant 0 : i32
    %cond3A_4 = arith.cmpi ne, %convert_element_type3A, %cond3A : i32
    scf.if %cond3A_4 {
      %mul3A_26 = arith.constant 80 : i32
      %mul3A_27 = arith.muli %add3A_2, %mul3A_26 : i32
      "tpu.region"() ({
        %run_scoped3A = tpu.sem_alloc : memref<!tpu.dma_semaphore, #tpu.memory_space<semaphore_mem>>
        %dma_start3A_32 = tpu.memref_slice %arg2[%mul3A_27] : memref<10000xi32, #tpu.memory_space<hbm>> -> memref<80xi32, #tpu.memory_space<hbm>>
        %dma_start3A_33 = tpu.memref_slice %arg2[%mul3A_27] : memref<10000xi32, #tpu.memory_space<hbm>> -> memref<80xi32, #tpu.memory_space<hbm>>
        tpu.enqueue_dma source(%dma_start3A_33 : memref<80xi32, #tpu.memory_space<hbm>>) target(%arg5 : memref<80xi32, #tpu.memory_space<vmem>>) target_semaphore(%run_scoped3A : memref<!tpu.dma_semaphore, #tpu.memory_space<semaphore_mem>>)
        %dma_wait3A_34 = tpu.memref_slice %arg2[%mul3A_27] : memref<10000xi32, #tpu.memory_space<hbm>> -> memref<80xi32, #tpu.memory_space<hbm>>
        %dma_wait3A_35 = tpu.memref_slice %arg2[%mul3A_27] : memref<10000xi32, #tpu.memory_space<hbm>> -> memref<80xi32, #tpu.memory_space<hbm>>
        tpu.wait_dma2 semaphore(%run_scoped3A : memref<!tpu.dma_semaphore, #tpu.memory_space<semaphore_mem>>) src(%dma_wait3A_35 : memref<80xi32, #tpu.memory_space<hbm>>) dst(%arg5 : memref<80xi32, #tpu.memory_space<vmem>>)
        tpu.yield
      }) : () -> ()
      %dma_start3A = arith.constant 0 : i32
      %dma_start3A_28 = arith.constant 0 : i32
      %dma_start3A_29 = tpu.memref_slice %arg3[%dma_start3A, %dma_start3A_28] : memref<100x128xf32, #tpu.memory_space<hbm>> -> memref<100x128xf32, #tpu.memory_space<hbm>>
      tpu.enqueue_indirect_dma source(%dma_start3A_29 : memref<100x128xf32, #tpu.memory_space<hbm>>) target(%arg6 : memref<80x128xf32, #tpu.memory_space<vmem>>) offsets(%arg5 : memref<80xi32, #tpu.memory_space<vmem>>) semaphore(%arg7 : memref<!tpu.dma_semaphore, #tpu.memory_space<semaphore_mem>>)
      %dma_wait3A = arith.constant 0 : i32
      %dma_wait3A_30 = arith.constant 0 : i32
      %dma_wait3A_31 = tpu.memref_slice %arg3[%dma_wait3A, %dma_wait3A_30] : memref<100x128xf32, #tpu.memory_space<hbm>> -> memref<100x128xf32, #tpu.memory_space<hbm>>
      tpu.wait_indirect_dma semaphore(%arg7 : memref<!tpu.dma_semaphore, #tpu.memory_space<semaphore_mem>>) src(%dma_wait3A_31 : memref<100x128xf32, #tpu.memory_space<hbm>>) dst(%arg6 : memref<80x128xf32, #tpu.memory_space<vmem>>)
      "tpu.region"() ({
        %run_scoped3A = tpu.sem_alloc : memref<!tpu.dma_semaphore, #tpu.memory_space<semaphore_mem>>
        %dma_start3A_32 = arith.constant 0 : i32
        %dma_start3A_33 = tpu.memref_slice %arg4[%mul3A_27, %dma_start3A_32] : memref<10000x128xf32, #tpu.memory_space<hbm>> -> memref<80x128xf32, #tpu.memory_space<hbm>>
        %dma_start3A_34 = arith.constant 0 : i32
        %dma_start3A_35 = tpu.memref_slice %arg4[%mul3A_27, %dma_start3A_34] : memref<10000x128xf32, #tpu.memory_space<hbm>> -> memref<80x128xf32, #tpu.memory_space<hbm>>
        tpu.enqueue_dma source(%arg6 : memref<80x128xf32, #tpu.memory_space<vmem>>) target(%dma_start3A_35 : memref<80x128xf32, #tpu.memory_space<hbm>>) target_semaphore(%run_scoped3A : memref<!tpu.dma_semaphore, #tpu.memory_space<semaphore_mem>>)
        %dma_wait3A_36 = arith.constant 0 : i32
        %dma_wait3A_37 = tpu.memref_slice %arg4[%mul3A_27, %dma_wait3A_36] : memref<10000x128xf32, #tpu.memory_space<hbm>> -> memref<80x128xf32, #tpu.memory_space<hbm>>
        %dma_wait3A_38 = arith.constant 0 : i32
        %dma_wait3A_39 = tpu.memref_slice %arg4[%mul3A_27, %dma_wait3A_38] : memref<10000x128xf32, #tpu.memory_space<hbm>> -> memref<80x128xf32, #tpu.memory_space<hbm>>
        tpu.wait_dma2 semaphore(%run_scoped3A : memref<!tpu.dma_semaphore, #tpu.memory_space<semaphore_mem>>) src(%arg6 : memref<80x128xf32, #tpu.memory_space<vmem>>) dst(%dma_wait3A_39 : memref<80x128xf32, #tpu.memory_space<hbm>>)
        tpu.yield
      }) : () -> ()
    } else {
    }
    %add3A_5 = arith.constant 32 : i32
    %add3A_6 = arith.addi %add3A, %add3A_5 : i32
    %lt3A_7 = arith.constant 125 : i32
    %lt3A_8 = arith.cmpi slt, %add3A_6, %lt3A_7 : i32
    %convert_element_type3A_9 = arith.extui %lt3A_8 : i1 to i32
    %cond3A_10 = arith.constant 0 : i32
    %cond3A_11 = arith.cmpi ne, %convert_element_type3A_9, %cond3A_10 : i32
    scf.if %cond3A_11 {
      %mul3A_26 = arith.constant 80 : i32
      %mul3A_27 = arith.muli %add3A_6, %mul3A_26 : i32
      "tpu.region"() ({
        %run_scoped3A = tpu.sem_alloc : memref<!tpu.dma_semaphore, #tpu.memory_space<semaphore_mem>>
        %dma_start3A_32 = tpu.memref_slice %arg2[%mul3A_27] : memref<10000xi32, #tpu.memory_space<hbm>> -> memref<80xi32, #tpu.memory_space<hbm>>
        %dma_start3A_33 = tpu.memref_slice %arg2[%mul3A_27] : memref<10000xi32, #tpu.memory_space<hbm>> -> memref<80xi32, #tpu.memory_space<hbm>>
        tpu.enqueue_dma source(%dma_start3A_33 : memref<80xi32, #tpu.memory_space<hbm>>) target(%arg5 : memref<80xi32, #tpu.memory_space<vmem>>) target_semaphore(%run_scoped3A : memref<!tpu.dma_semaphore, #tpu.memory_space<semaphore_mem>>)
        %dma_wait3A_34 = tpu.memref_slice %arg2[%mul3A_27] : memref<10000xi32, #tpu.memory_space<hbm>> -> memref<80xi32, #tpu.memory_space<hbm>>
        %dma_wait3A_35 = tpu.memref_slice %arg2[%mul3A_27] : memref<10000xi32, #tpu.memory_space<hbm>> -> memref<80xi32, #tpu.memory_space<hbm>>
        tpu.wait_dma2 semaphore(%run_scoped3A : memref<!tpu.dma_semaphore, #tpu.memory_space<semaphore_mem>>) src(%dma_wait3A_35 : memref<80xi32, #tpu.memory_space<hbm>>) dst(%arg5 : memref<80xi32, #tpu.memory_space<vmem>>)
        tpu.yield
      }) : () -> ()
      %dma_start3A = arith.constant 0 : i32
      %dma_start3A_28 = arith.constant 0 : i32
      %dma_start3A_29 = tpu.memref_slice %arg3[%dma_start3A, %dma_start3A_28] : memref<100x128xf32, #tpu.memory_space<hbm>> -> memref<100x128xf32, #tpu.memory_space<hbm>>
      tpu.enqueue_indirect_dma source(%dma_start3A_29 : memref<100x128xf32, #tpu.memory_space<hbm>>) target(%arg6 : memref<80x128xf32, #tpu.memory_space<vmem>>) offsets(%arg5 : memref<80xi32, #tpu.memory_space<vmem>>) semaphore(%arg7 : memref<!tpu.dma_semaphore, #tpu.memory_space<semaphore_mem>>)
      %dma_wait3A = arith.constant 0 : i32
      %dma_wait3A_30 = arith.constant 0 : i32
      %dma_wait3A_31 = tpu.memref_slice %arg3[%dma_wait3A, %dma_wait3A_30] : memref<100x128xf32, #tpu.memory_space<hbm>> -> memref<100x128xf32, #tpu.memory_space<hbm>>
      tpu.wait_indirect_dma semaphore(%arg7 : memref<!tpu.dma_semaphore, #tpu.memory_space<semaphore_mem>>) src(%dma_wait3A_31 : memref<100x128xf32, #tpu.memory_space<hbm>>) dst(%arg6 : memref<80x128xf32, #tpu.memory_space<vmem>>)
      "tpu.region"() ({
        %run_scoped3A = tpu.sem_alloc : memref<!tpu.dma_semaphore, #tpu.memory_space<semaphore_mem>>
        %dma_start3A_32 = arith.constant 0 : i32
        %dma_start3A_33 = tpu.memref_slice %arg4[%mul3A_27, %dma_start3A_32] : memref<10000x128xf32, #tpu.memory_space<hbm>> -> memref<80x128xf32, #tpu.memory_space<hbm>>
        %dma_start3A_34 = arith.constant 0 : i32
        %dma_start3A_35 = tpu.memref_slice %arg4[%mul3A_27, %dma_start3A_34] : memref<10000x128xf32, #tpu.memory_space<hbm>> -> memref<80x128xf32, #tpu.memory_space<hbm>>
        tpu.enqueue_dma source(%arg6 : memref<80x128xf32, #tpu.memory_space<vmem>>) target(%dma_start3A_35 : memref<80x128xf32, #tpu.memory_space<hbm>>) target_semaphore(%run_scoped3A : memref<!tpu.dma_semaphore, #tpu.memory_space<semaphore_mem>>)
        %dma_wait3A_36 = arith.constant 0 : i32
        %dma_wait3A_37 = tpu.memref_slice %arg4[%mul3A_27, %dma_wait3A_36] : memref<10000x128xf32, #tpu.memory_space<hbm>> -> memref<80x128xf32, #tpu.memory_space<hbm>>
        %dma_wait3A_38 = arith.constant 0 : i32
        %dma_wait3A_39 = tpu.memref_slice %arg4[%mul3A_27, %dma_wait3A_38] : memref<10000x128xf32, #tpu.memory_space<hbm>> -> memref<80x128xf32, #tpu.memory_space<hbm>>
        tpu.wait_dma2 semaphore(%run_scoped3A : memref<!tpu.dma_semaphore, #tpu.memory_space<semaphore_mem>>) src(%arg6 : memref<80x128xf32, #tpu.memory_space<vmem>>) dst(%dma_wait3A_39 : memref<80x128xf32, #tpu.memory_space<hbm>>)
        tpu.yield
      }) : () -> ()
    } else {
    }
    %add3A_12 = arith.constant 64 : i32
    %add3A_13 = arith.addi %add3A, %add3A_12 : i32
    %lt3A_14 = arith.constant 125 : i32
    %lt3A_15 = arith.cmpi slt, %add3A_13, %lt3A_14 : i32
    %convert_element_type3A_16 = arith.extui %lt3A_15 : i1 to i32
    %cond3A_17 = arith.constant 0 : i32
    %cond3A_18 = arith.cmpi ne, %convert_element_type3A_16, %cond3A_17 : i32
    scf.if %cond3A_18 {
      %mul3A_26 = arith.constant 80 : i32
      %mul3A_27 = arith.muli %add3A_13, %mul3A_26 : i32
      "tpu.region"() ({
        %run_scoped3A = tpu.sem_alloc : memref<!tpu.dma_semaphore, #tpu.memory_space<semaphore_mem>>
        %dma_start3A_32 = tpu.memref_slice %arg2[%mul3A_27] : memref<10000xi32, #tpu.memory_space<hbm>> -> memref<80xi32, #tpu.memory_space<hbm>>
        %dma_start3A_33 = tpu.memref_slice %arg2[%mul3A_27] : memref<10000xi32, #tpu.memory_space<hbm>> -> memref<80xi32, #tpu.memory_space<hbm>>
        tpu.enqueue_dma source(%dma_start3A_33 : memref<80xi32, #tpu.memory_space<hbm>>) target(%arg5 : memref<80xi32, #tpu.memory_space<vmem>>) target_semaphore(%run_scoped3A : memref<!tpu.dma_semaphore, #tpu.memory_space<semaphore_mem>>)
        %dma_wait3A_34 = tpu.memref_slice %arg2[%mul3A_27] : memref<10000xi32, #tpu.memory_space<hbm>> -> memref<80xi32, #tpu.memory_space<hbm>>
        %dma_wait3A_35 = tpu.memref_slice %arg2[%mul3A_27] : memref<10000xi32, #tpu.memory_space<hbm>> -> memref<80xi32, #tpu.memory_space<hbm>>
        tpu.wait_dma2 semaphore(%run_scoped3A : memref<!tpu.dma_semaphore, #tpu.memory_space<semaphore_mem>>) src(%dma_wait3A_35 : memref<80xi32, #tpu.memory_space<hbm>>) dst(%arg5 : memref<80xi32, #tpu.memory_space<vmem>>)
        tpu.yield
      }) : () -> ()
      %dma_start3A = arith.constant 0 : i32
      %dma_start3A_28 = arith.constant 0 : i32
      %dma_start3A_29 = tpu.memref_slice %arg3[%dma_start3A, %dma_start3A_28] : memref<100x128xf32, #tpu.memory_space<hbm>> -> memref<100x128xf32, #tpu.memory_space<hbm>>
      tpu.enqueue_indirect_dma source(%dma_start3A_29 : memref<100x128xf32, #tpu.memory_space<hbm>>) target(%arg6 : memref<80x128xf32, #tpu.memory_space<vmem>>) offsets(%arg5 : memref<80xi32, #tpu.memory_space<vmem>>) semaphore(%arg7 : memref<!tpu.dma_semaphore, #tpu.memory_space<semaphore_mem>>)
      %dma_wait3A = arith.constant 0 : i32
      %dma_wait3A_30 = arith.constant 0 : i32
      %dma_wait3A_31 = tpu.memref_slice %arg3[%dma_wait3A, %dma_wait3A_30] : memref<100x128xf32, #tpu.memory_space<hbm>> -> memref<100x128xf32, #tpu.memory_space<hbm>>
      tpu.wait_indirect_dma semaphore(%arg7 : memref<!tpu.dma_semaphore, #tpu.memory_space<semaphore_mem>>) src(%dma_wait3A_31 : memref<100x128xf32, #tpu.memory_space<hbm>>) dst(%arg6 : memref<80x128xf32, #tpu.memory_space<vmem>>)
      "tpu.region"() ({
        %run_scoped3A = tpu.sem_alloc : memref<!tpu.dma_semaphore, #tpu.memory_space<semaphore_mem>>
        %dma_start3A_32 = arith.constant 0 : i32
        %dma_start3A_33 = tpu.memref_slice %arg4[%mul3A_27, %dma_start3A_32] : memref<10000x128xf32, #tpu.memory_space<hbm>> -> memref<80x128xf32, #tpu.memory_space<hbm>>
        %dma_start3A_34 = arith.constant 0 : i32
        %dma_start3A_35 = tpu.memref_slice %arg4[%mul3A_27, %dma_start3A_34] : memref<10000x128xf32, #tpu.memory_space<hbm>> -> memref<80x128xf32, #tpu.memory_space<hbm>>
        tpu.enqueue_dma source(%arg6 : memref<80x128xf32, #tpu.memory_space<vmem>>) target(%dma_start3A_35 : memref<80x128xf32, #tpu.memory_space<hbm>>) target_semaphore(%run_scoped3A : memref<!tpu.dma_semaphore, #tpu.memory_space<semaphore_mem>>)
        %dma_wait3A_36 = arith.constant 0 : i32
        %dma_wait3A_37 = tpu.memref_slice %arg4[%mul3A_27, %dma_wait3A_36] : memref<10000x128xf32, #tpu.memory_space<hbm>> -> memref<80x128xf32, #tpu.memory_space<hbm>>
        %dma_wait3A_38 = arith.constant 0 : i32
        %dma_wait3A_39 = tpu.memref_slice %arg4[%mul3A_27, %dma_wait3A_38] : memref<10000x128xf32, #tpu.memory_space<hbm>> -> memref<80x128xf32, #tpu.memory_space<hbm>>
        tpu.wait_dma2 semaphore(%run_scoped3A : memref<!tpu.dma_semaphore, #tpu.memory_space<semaphore_mem>>) src(%arg6 : memref<80x128xf32, #tpu.memory_space<vmem>>) dst(%dma_wait3A_39 : memref<80x128xf32, #tpu.memory_space<hbm>>)
        tpu.yield
      }) : () -> ()
    } else {
    }
    %add3A_19 = arith.constant 96 : i32
    %add3A_20 = arith.addi %add3A, %add3A_19 : i32
    %lt3A_21 = arith.constant 125 : i32
    %lt3A_22 = arith.cmpi slt, %add3A_20, %lt3A_21 : i32
    %convert_element_type3A_23 = arith.extui %lt3A_22 : i1 to i32
    %cond3A_24 = arith.constant 0 : i32
    %cond3A_25 = arith.cmpi ne, %convert_element_type3A_23, %cond3A_24 : i32
    scf.if %cond3A_25 {
      %mul3A_26 = arith.constant 80 : i32
      %mul3A_27 = arith.muli %add3A_20, %mul3A_26 : i32
      "tpu.region"() ({
        %run_scoped3A = tpu.sem_alloc : memref<!tpu.dma_semaphore, #tpu.memory_space<semaphore_mem>>
        %dma_start3A_32 = tpu.memref_slice %arg2[%mul3A_27] : memref<10000xi32, #tpu.memory_space<hbm>> -> memref<80xi32, #tpu.memory_space<hbm>>
        %dma_start3A_33 = tpu.memref_slice %arg2[%mul3A_27] : memref<10000xi32, #tpu.memory_space<hbm>> -> memref<80xi32, #tpu.memory_space<hbm>>
        tpu.enqueue_dma source(%dma_start3A_33 : memref<80xi32, #tpu.memory_space<hbm>>) target(%arg5 : memref<80xi32, #tpu.memory_space<vmem>>) target_semaphore(%run_scoped3A : memref<!tpu.dma_semaphore, #tpu.memory_space<semaphore_mem>>)
        %dma_wait3A_34 = tpu.memref_slice %arg2[%mul3A_27] : memref<10000xi32, #tpu.memory_space<hbm>> -> memref<80xi32, #tpu.memory_space<hbm>>
        %dma_wait3A_35 = tpu.memref_slice %arg2[%mul3A_27] : memref<10000xi32, #tpu.memory_space<hbm>> -> memref<80xi32, #tpu.memory_space<hbm>>
        tpu.wait_dma2 semaphore(%run_scoped3A : memref<!tpu.dma_semaphore, #tpu.memory_space<semaphore_mem>>) src(%dma_wait3A_35 : memref<80xi32, #tpu.memory_space<hbm>>) dst(%arg5 : memref<80xi32, #tpu.memory_space<vmem>>)
        tpu.yield
      }) : () -> ()
      %dma_start3A = arith.constant 0 : i32
      %dma_start3A_28 = arith.constant 0 : i32
      %dma_start3A_29 = tpu.memref_slice %arg3[%dma_start3A, %dma_start3A_28] : memref<100x128xf32, #tpu.memory_space<hbm>> -> memref<100x128xf32, #tpu.memory_space<hbm>>
      tpu.enqueue_indirect_dma source(%dma_start3A_29 : memref<100x128xf32, #tpu.memory_space<hbm>>) target(%arg6 : memref<80x128xf32, #tpu.memory_space<vmem>>) offsets(%arg5 : memref<80xi32, #tpu.memory_space<vmem>>) semaphore(%arg7 : memref<!tpu.dma_semaphore, #tpu.memory_space<semaphore_mem>>)
      %dma_wait3A = arith.constant 0 : i32
      %dma_wait3A_30 = arith.constant 0 : i32
      %dma_wait3A_31 = tpu.memref_slice %arg3[%dma_wait3A, %dma_wait3A_30] : memref<100x128xf32, #tpu.memory_space<hbm>> -> memref<100x128xf32, #tpu.memory_space<hbm>>
      tpu.wait_indirect_dma semaphore(%arg7 : memref<!tpu.dma_semaphore, #tpu.memory_space<semaphore_mem>>) src(%dma_wait3A_31 : memref<100x128xf32, #tpu.memory_space<hbm>>) dst(%arg6 : memref<80x128xf32, #tpu.memory_space<vmem>>)
      "tpu.region"() ({
        %run_scoped3A = tpu.sem_alloc : memref<!tpu.dma_semaphore, #tpu.memory_space<semaphore_mem>>
        %dma_start3A_32 = arith.constant 0 : i32
        %dma_start3A_33 = tpu.memref_slice %arg4[%mul3A_27, %dma_start3A_32] : memref<10000x128xf32, #tpu.memory_space<hbm>> -> memref<80x128xf32, #tpu.memory_space<hbm>>
        %dma_start3A_34 = arith.constant 0 : i32
        %dma_start3A_35 = tpu.memref_slice %arg4[%mul3A_27, %dma_start3A_34] : memref<10000x128xf32, #tpu.memory_space<hbm>> -> memref<80x128xf32, #tpu.memory_space<hbm>>
        tpu.enqueue_dma source(%arg6 : memref<80x128xf32, #tpu.memory_space<vmem>>) target(%dma_start3A_35 : memref<80x128xf32, #tpu.memory_space<hbm>>) target_semaphore(%run_scoped3A : memref<!tpu.dma_semaphore, #tpu.memory_space<semaphore_mem>>)
        %dma_wait3A_36 = arith.constant 0 : i32
        %dma_wait3A_37 = tpu.memref_slice %arg4[%mul3A_27, %dma_wait3A_36] : memref<10000x128xf32, #tpu.memory_space<hbm>> -> memref<80x128xf32, #tpu.memory_space<hbm>>
        %dma_wait3A_38 = arith.constant 0 : i32
        %dma_wait3A_39 = tpu.memref_slice %arg4[%mul3A_27, %dma_wait3A_38] : memref<10000x128xf32, #tpu.memory_space<hbm>> -> memref<80x128xf32, #tpu.memory_space<hbm>>
        tpu.wait_dma2 semaphore(%run_scoped3A : memref<!tpu.dma_semaphore, #tpu.memory_space<semaphore_mem>>) src(%arg6 : memref<80x128xf32, #tpu.memory_space<vmem>>) dst(%dma_wait3A_39 : memref<80x128xf32, #tpu.memory_space<hbm>>)
        tpu.yield
      }) : () -> ()
    } else {
    }
    return
  }
}

module attributes {stable_mosaic.version = 14 : i64} {
  func.func @_proj_kernel(%arg0: i32, %arg1: memref<16000x16xbf16, #tpu.memory_space<vmem>>, %arg2: memref<16x384xbf16, #tpu.memory_space<vmem>>, %arg3: memref<1x384xf32, #tpu.memory_space<vmem>>, %arg4: memref<16000x128xf32, #tpu.memory_space<vmem>>, %arg5: memref<16000x128xf32, #tpu.memory_space<vmem>>, %arg6: memref<16000x128xf32, #tpu.memory_space<vmem>>) attributes {dimension_semantics = [#tpu.dimension_semantics<arbitrary>], iteration_bounds = array<i64: 20>, scalar_prefetch = 0 : i64, scratch_operands = 0 : i64, tpu.core_type = #tpu.core_type<tc>, window_params = [{transform_indices = @transform_0, window_bounds = array<i64: 16000, 16>}, {pipeline_mode = #tpu.pipeline_mode<synchronous>, transform_indices = @transform_1, window_bounds = array<i64: 16, 384>}, {pipeline_mode = #tpu.pipeline_mode<synchronous>, transform_indices = @transform_2, window_bounds = array<i64: 1, 384>}, {transform_indices = @transform_3, window_bounds = array<i64: 16000, 128>}, {transform_indices = @transform_4, window_bounds = array<i64: 16000, 128>}, {transform_indices = @transform_5, window_bounds = array<i64: 16000, 128>}]} {
    %get3A = arith.constant 0 : index
    %get3A_0 = arith.constant 0 : index
    %get3A_1 = vector.load %arg1[%get3A, %get3A_0] : memref<16000x16xbf16, #tpu.memory_space<vmem>>, vector<16000x16xbf16>
    %get3A_2 = arith.constant 0 : index
    %get3A_3 = arith.constant 0 : index
    %get3A_4 = vector.load %arg2[%get3A_2, %get3A_3] : memref<16x384xbf16, #tpu.memory_space<vmem>>, vector<16x128xbf16>
    %dot_general3A = arith.constant dense<0.000000e+00> : vector<16000x128xf32>
    %dot_general3A_5 = tpu.matmul %get3A_1, %get3A_4, %dot_general3A {dimension_numbers = #tpu.dot_dimension_numbers<[1], [0], [0], [1], [0, 0, 1, 1], [], []>, transpose_lhs_hint = false} : vector<16000x16xbf16>, vector<16x128xbf16>, vector<16000x128xf32> -> vector<16000x128xf32>
    %get3A_6 = arith.constant 0 : index
    %get3A_7 = arith.constant 0 : index
    %get3A_8 = vector.load %arg3[%get3A_6, %get3A_7] : memref<1x384xf32, #tpu.memory_space<vmem>>, vector<1x128xf32>
    %add3A = vector.broadcast %get3A_8 : vector<1x128xf32> to vector<16000x128xf32>
    %add3A_9 = arith.addf %dot_general3A_5, %add3A : vector<16000x128xf32>
    %swap3A = arith.constant 0 : index
    %swap3A_10 = arith.constant 0 : index
    %swap3A_11 = vector.load %arg4[%swap3A, %swap3A_10] : memref<16000x128xf32, #tpu.memory_space<vmem>>, vector<16000x128xf32>
    tpu.vector_store %arg4[%swap3A, %swap3A_10], %add3A_9 {strides = array<i32>} : memref<16000x128xf32, #tpu.memory_space<vmem>>, vector<16000x128xf32>,
    %get3A_12 = arith.constant 0 : index
    %get3A_13 = arith.constant 128 : index
    %get3A_14 = vector.load %arg2[%get3A_12, %get3A_13] : memref<16x384xbf16, #tpu.memory_space<vmem>>, vector<16x128xbf16>
    %dot_general3A_15 = arith.constant dense<0.000000e+00> : vector<16000x128xf32>
    %dot_general3A_16 = tpu.matmul %get3A_1, %get3A_14, %dot_general3A_15 {dimension_numbers = #tpu.dot_dimension_numbers<[1], [0], [0], [1], [0, 0, 1, 1], [], []>, transpose_lhs_hint = false} : vector<16000x16xbf16>, vector<16x128xbf16>, vector<16000x128xf32> -> vector<16000x128xf32>
    %get3A_17 = arith.constant 0 : index
    %get3A_18 = arith.constant 128 : index
    %get3A_19 = vector.load %arg3[%get3A_17, %get3A_18] : memref<1x384xf32, #tpu.memory_space<vmem>>, vector<1x128xf32>
    %add3A_20 = vector.broadcast %get3A_19 : vector<1x128xf32> to vector<16000x128xf32>
    %add3A_21 = arith.addf %dot_general3A_16, %add3A_20 : vector<16000x128xf32>
    %swap3A_22 = arith.constant 0 : index
    %swap3A_23 = arith.constant 0 : index
    %swap3A_24 = vector.load %arg5[%swap3A_22, %swap3A_23] : memref<16000x128xf32, #tpu.memory_space<vmem>>, vector<16000x128xf32>
    tpu.vector_store %arg5[%swap3A_22, %swap3A_23], %add3A_21 {strides = array<i32>} : memref<16000x128xf32, #tpu.memory_space<vmem>>, vector<16000x128xf32>,
    %get3A_25 = arith.constant 0 : index
    %get3A_26 = arith.constant 256 : index
    %get3A_27 = vector.load %arg2[%get3A_25, %get3A_26] : memref<16x384xbf16, #tpu.memory_space<vmem>>, vector<16x128xbf16>
    %dot_general3A_28 = arith.constant dense<0.000000e+00> : vector<16000x128xf32>
    %dot_general3A_29 = tpu.matmul %get3A_1, %get3A_27, %dot_general3A_28 {dimension_numbers = #tpu.dot_dimension_numbers<[1], [0], [0], [1], [0, 0, 1, 1], [], []>, transpose_lhs_hint = false} : vector<16000x16xbf16>, vector<16x128xbf16>, vector<16000x128xf32> -> vector<16000x128xf32>
    %get3A_30 = arith.constant 0 : index
    %get3A_31 = arith.constant 256 : index
    %get3A_32 = vector.load %arg3[%get3A_30, %get3A_31] : memref<1x384xf32, #tpu.memory_space<vmem>>, vector<1x128xf32>
    %add3A_33 = vector.broadcast %get3A_32 : vector<1x128xf32> to vector<16000x128xf32>
    %add3A_34 = arith.addf %dot_general3A_29, %add3A_33 : vector<16000x128xf32>
    %swap3A_35 = arith.constant 0 : index
    %swap3A_36 = arith.constant 0 : index
    %swap3A_37 = vector.load %arg6[%swap3A_35, %swap3A_36] : memref<16000x128xf32, #tpu.memory_space<vmem>>, vector<16000x128xf32>
    tpu.vector_store %arg6[%swap3A_35, %swap3A_36], %add3A_34 {strides = array<i32>} : memref<16000x128xf32, #tpu.memory_space<vmem>>, vector<16000x128xf32>,
    return
  }
  func.func @transform_0(%arg0: i32) -> (i32, i32) {
    %c0_i32 = arith.constant 0 : i32
    %c0_i32_0 = arith.constant 0 : i32
    return %arg0, %c0_i32 : i32, i32
  }
  func.func @transform_1(%arg0: i32) -> (i32, i32) {
    %c0_i32 = arith.constant 0 : i32
    %c0_i32_0 = arith.constant 0 : i32
    %c0_i32_1 = arith.constant 0 : i32
    return %c0_i32, %c0_i32_0 : i32, i32
  }
  func.func @transform_2(%arg0: i32) -> (i32, i32) {
    %c0_i32 = arith.constant 0 : i32
    %c0_i32_0 = arith.constant 0 : i32
    %c0_i32_1 = arith.constant 0 : i32
    return %c0_i32, %c0_i32_0 : i32, i32
  }
  func.func @transform_3(%arg0: i32) -> (i32, i32) {
    %c0_i32 = arith.constant 0 : i32
    %c0_i32_0 = arith.constant 0 : i32
    return %arg0, %c0_i32 : i32, i32
  }
  func.func @transform_4(%arg0: i32) -> (i32, i32) {
    %c0_i32 = arith.constant 0 : i32
    %c0_i32_0 = arith.constant 0 : i32
    return %arg0, %c0_i32 : i32, i32
  }
  func.func @transform_5(%arg0: i32) -> (i32, i32) {
    %c0_i32 = arith.constant 0 : i32
    %c0_i32_0 = arith.constant 0 : i32
    return %arg0, %c0_i32 : i32, i32
  }
}

</mosaic_0001>

<sc_bundles>
// kernel: kernel.4.cloned.1.call-start
scs
__scs_entry_jumppad:
0x0: {  	(pc) =	sbr.rel $0x88, $3  }
0x1: {  	(tag) =	ssettag $0x0;
	lr =	simm.s32 $0x1  }
0x2: {  	[smem:$0x3F9C] =	sst lr;
	_ =	strace $0xD0000000  }
0x3: {  	_ = 	snop  }
0x4: {  	_ = 	snop  }
0x5: {  	_ = 	snop  }
0x6: {  	_ = 	snop  }
0x7: {  	_ = 	snop  }
__scs_overlays_trampoline_lowered:
0x8: {  	[smem:$0x3FAB] =	sst s0  }
0x9: {  	[smem:$0x3FAC] =	sst s1  }
0xa: {  	[smem:$0x3FAD] =	sst s2  }
0xb: {  	[smem:$0x3FAE] =	sst s3  }
0xc: {  	[smem:$0x3FAF] =	sst s4  }
0xd: {  	[smem:$0x3FB0] =	sst s5  }
0xe: {  	[smem:$0x3FB1] =	sst s6  }
0xf: {  	[smem:$0x3FB2] =	sst s7  }
0x10: {  	[smem:$0x3FB3] =	sst s8  }
0x11: {  	[smem:$0x3FB4] =	sst s9;
	s0 =	simm.s32 @!p0 $0x0  }
0x12: {  	s1 =	sld [smem:$0x3F9A];
	s0 =	simm.s32 @p0 $0x1  }
0x13: {  	[smem:$0x3FB5] =	sst s0;
	s0 =	simm.s32 @!p1 $0x0  }
0x14: {  	s2 =	sld [smem:$0x3F99];
	s0 =	simm.s32 @p1 $0x1  }
0x15: {  	[smem:$0x3FB6] =	sst s0;
	s0 =	simm.s32 @!p2 $0x0  }
0x16: {  	s3 =	sld [smem:$0x3FDB];
	s0 =	simm.s32 @p2 $0x1  }
0x17: {  	s4 =	simm.s32 $0x1BF5;
	[smem:$0x3FB8] =	sst s0  }
0x18: {  	s0 =	sld [smem:$0x3F9B];
	_ =	swait.ge [sflag:s4], $0x0  }
0x19: {  	s7 =	sld [smem:$0x3F9C]  }
0x1a: {  	s8 =	sadd.s32 $0xFFFFE003, lr  }
0x1b: {  	s9 =	sadd.s32 $0xFFFFFEF7, lr;
	s5 =	simm.s32 $0xFFFFFFFF;
	p2 =	slt.u32 s8, $0xFFFFF086  }
0x1c: {  	p1 =	slt.u32 s9, $0xF7A;
	s5 =	simm.s32 @!p2 $0x0  }
0x1d: {  	s5 =	simm.s32 @p1 $0x1;
	p0 =	seq.s32 s7, s2  }
0x1e: {  	s7 =	smul.u32 @!p0 $0xF7A, s2;
	p2 =	seq.s32 @!p0 s5, $0x0  }
0x1f: {  	s9 =	smul.u32 $0xF7A, s1;
	s8 =	simm.s32 @!p0 $0x1BF5;
	p2 =	por !p2, p0  }
0x20: {  	[sflag:s8] =	ssyncset.s32 @!p0 $0xFFFFF086;
	s6 =	sadd.s32 @!p0 s3, s7;
	s7 =	simm.s32 @!p0 $0x108  }
0x21: {  	s3 =	sadd.s32 s3, s9;
	s6 =	sadd.s32 @!p0 $0x88, s6;
	s7 =	simm.s32 @p2 $0x1082  }
0x22: {  	[simem:s7], [sflag:s8] =	dma.local @!p0 [hbm:s6], $0xF7A  }
0x23: {  	s9 =	sor.u32 $0xD0000000, s2;
	s6 =	simm.s32 $0x108;
	_ =	swait.ge @!p0 [sflag:s8], $0x0  }
0x24: {  	s3 =	sadd.s32 $0x88, s3;
	s6 =	simm.s32 @!p1 $0x1082;
	[sflag:s4] =	ssyncset.s32 $0xFFFFF086  }
0x25: {  	[simem:s6], [sflag:s4] =	dma.local [hbm:s3], $0xF7A  }
0x26: {  	[smem:$0x3F9C] =	sst s1;
	(tag) =	ssettag s2;
	_ =	strace s9  }
0x27: {  	s1 =	sld [smem:$0x3FAC]  }
0x28: {  	s2 =	sld [smem:$0x3FAD]  }
0x29: {  	s4 =	sld [smem:$0x3FAF]  }
0x2a: {  	p0 =	seq.s32 s5, $0x0;
	s5 =	sld [smem:$0x3FB0]  }
0x2b: {  	s6 =	sld [smem:$0x3FB1]  }
0x2c: {  	s7 =	sld [smem:$0x3FB2]  }
0x2d: {  	s3 =	simm.s32 $0x108;
	s8 =	sld [smem:$0x3FB3]  }
0x2e: {  	s3 =	simm.s32 @!p0 $0x1082;
	s9 =	sld [smem:$0x3FB4]  }
0x2f: {  	lr =	sadd.s32 s0, s3;
	s0 =	sld [smem:$0x3FAB]  }
0x30: {  	s3 =	sld [smem:$0x3FAE]  }
0x31: {  	[smem:$0x3FB7] =	sst s10  }
0x32: {  	s10 =	sld [smem:$0x3FB5];
	_ =	sdelay $0x3  }
0x33: {  	p0 =	seq.s32 s10, $0x1;
	s10 =	sld [smem:$0x3FB7];
	_ =	sdelay $0x3  }
0x34: {  	[smem:$0x3FB7] =	sst s10  }
0x35: {  	s10 =	sld [smem:$0x3FB6];
	_ =	sdelay $0x3  }
0x36: {  	p1 =	seq.s32 s10, $0x1;
	s10 =	sld [smem:$0x3FB7];
	_ =	sdelay $0x3  }
0x37: {  	[smem:$0x3FB7] =	sst s10  }
0x38: {  	s10 =	sld [smem:$0x3FB8]  }
0x39: {  	_ = 	snop;
	(pc) =	sbr.ind lr, $3  }
0x3a: {  	_ = 	snop  }
0x3b: {  	_ = 	snop  }
0x3c: {  	p2 =	seq.s32 s10, $0x1;
	s10 =	sld [smem:$0x3FB7]  }
0x3d: {  	_ =	shalt  }
0x3e: {  	_ =	shalt  }
0x3f: {  	_ =	shalt  }
0x40: {  	_ =	shalt  }
0x41: {  	_ =	shalt  }
0x42: {  	_ =	shalt  }
0x43: {  	_ =	shalt  }
0x44: {  	_ =	shalt  }
0x45: {  	_ =	shalt  }
0x46: {  	_ =	shalt  }
0x47: {  	_ =	shalt  }
0x48: {  	_ =	shalt  }
0x49: {  	_ =	shalt  }
0x4a: {  	_ =	shalt  }
0x4b: {  	_ =	shalt  }
0x4c: {  	_ =	shalt  }
0x4d: {  	_ =	shalt  }
0x4e: {  	_ =	shalt  }
0x4f: {  	_ =	shalt  }
0x50: {  	_ =	shalt  }
0x51: {  	_ =	shalt  }
0x52: {  	_ =	shalt  }
0x53: {  	_ =	shalt  }
0x54: {  	_ =	shalt  }
0x55: {  	_ =	shalt  }
0x56: {  	_ =	shalt  }
0x57: {  	_ =	shalt  }
0x58: {  	_ =	shalt  }
0x59: {  	_ =	shalt  }
0x5a: {  	_ =	shalt  }
0x5b: {  	_ =	shalt  }
0x5c: {  	_ =	shalt  }
0x5d: {  	_ =	shalt  }
0x5e: {  	_ =	shalt  }
0x5f: {  	_ =	shalt  }
0x60: {  	_ =	shalt  }
0x61: {  	_ =	shalt  }
0x62: {  	_ =	shalt  }
0x63: {  	_ =	shalt  }
0x64: {  	_ =	shalt  }
0x65: {  	_ =	shalt  }
0x66: {  	_ =	shalt  }
0x67: {  	_ =	shalt  }
0x68: {  	_ =	shalt  }
0x69: {  	_ =	shalt  }
0x6a: {  	_ =	shalt  }
0x6b: {  	_ =	shalt  }
0x6c: {  	_ =	shalt  }
0x6d: {  	_ =	shalt  }
0x6e: {  	_ =	shalt  }
0x6f: {  	_ =	shalt  }
0x70: {  	_ =	shalt  }
0x71: {  	_ =	shalt  }
0x72: {  	_ =	shalt  }
0x73: {  	_ =	shalt  }
0x74: {  	_ =	shalt  }
0x75: {  	_ =	shalt  }
0x76: {  	_ =	shalt  }
0x77: {  	_ =	shalt  }
0x78: {  	_ =	shalt  }
0x79: {  	_ =	shalt  }
0x7a: {  	_ =	shalt  }
0x7b: {  	_ =	shalt  }
0x7c: {  	_ =	shalt  }
0x7d: {  	_ =	shalt  }
0x7e: {  	_ =	shalt  }
0x7f: {  	_ =	shalt  }
0x80: {  	_ =	shalt  }
0x81: {  	_ =	shalt  }
0x82: {  	_ =	shalt  }
0x83: {  	_ =	shalt  }
0x84: {  	_ =	shalt  }
0x85: {  	_ =	shalt  }
0x86: {  	_ =	shalt  }
0x87: {  	_ =	shalt  }
.Lfunc_end0:
.L_simem_size_0:
called_computation_lowered:
.L_overlay_start_0:
0x88: {  	s2 =	sld [smem:$0x3FD9]  }
0x89: {  	s3 =	sld [smem:$0x3FFE];
	_ =	sdelay $0x1  }
0x8a: {  	s1 =	srdreg.scid  }
0x8b: {  	s0 =	sand.u32 $0x1, s1  }
0x8c: {  	s14 =	sshll.u32 s0, $0xA;
	s2 =	sadd.s32 s3, s2  }
0x8d: {  	s2 =	sadd.s32 s2, s14  }
0x8e: {  	[smem:$0x3FC3] =	sst s2  }
0x8f: {  	_ = 	snop  }
0x90: {  	s2 =	sld [smem:$0x3FD0];
	_ =	sdelay $0x2  }
0x91: {  	s4 =	simm.s32 $0xA;
	s5 =	simm.s32 $0x10;
	s15 =	sld [smem:$0x3FC7]  }
0x92: {  	[smem:s5], [sflag:s4] =	dma.local [hbm:s2], $0x1  }
0x93: {  	_ =	swait.eq [sflag:s4], $0x1  }
0x94: {  	[sflag:s4] =	ssyncset.done $0x0  }
0x95: {  	[sflag:s4] =	ssyncadd.s32 $0xFFFFFFFF  }
0x96: {  	s16 =	sld [smem:$0x10];
	(tm) =	ssettm $0x1  }
0x97: {  	s17 =	sld [smem:$0x3FFB];
	_ =	sdelay $0x3  }
0x98: {  	_ =	strace s17  }
0x99: {  	s4 =	sld [smem:$0x3FFC];
	_ =	sdelay $0x3  }
0x9a: {  	_ =	strace s4  }
0x9b: {  	s4 =	sld [smem:$0x3FFD];
	_ =	sdelay $0x3  }
0x9c: {  	_ =	strace s4  }
0x9d: {  	_ =	strace $0x8FFFFFFF  }
0x9e: {  	s18 =	sld [smem:$0x3FDB];
	_ =	sdelay $0x1  }
0x9f: {  	s19 =	simm.s32 $_scs_section_size  }
0xa0: {  	s6 =	simm.s32 $_size__tile_overlayer_lowered;
	s7 =	simm.s32 $_tile_overlayer_lowered  }
0xa1: {  	s22 =	simm.s32 $0x1BFF;
	s21 =	sshll.u32 s7, $0x1;
	s4 =	sadd.s32 s19, s18  }
0xa2: {  	s8 =	simm.s32 $0x0;
	s20 =	sshll.u32 s6, $0x1;
	s6 =	sadd.s32 s21, s4  }
0xa3: {  	[timem:s8], [sflag:s22] =	dma.local [hbm:s6], s20  }
0xa4: {  	_ =	swait.ge [sflag:s22], s20  }
0xa5: {  	s5 =	ssub.s32 $0x0, s20;
	[sflag:s22] =	ssyncset.done $0x0  }
0xa6: {  	[sflag:s22] =	ssyncadd.s32 s5;
	_ =	sdelay $0x1  }
0xa7: {  	s23 =	simm.s32 $0x1B8B  }
0xa8: {  	_ =	swait.ge [sflag:s23], $0x1  }
0xa9: {  	[sflag:s23] =	ssyncset.done $0x0  }
0xaa: {  	s25 =	simm.s32 $0x1B8E;
	s24 =	sld [smem:$0x3FFE];
	[sflag:s23] =	ssyncadd.s32 $0xFFFFFFFF  }
0xab: {  	s26 =	simm.s32 $execute0_lowered;
	[smem:$0x3FD2] =	sst s25  }
0xac: {  	s6 =	sshll.u32 s26, $0x1;
	_ =	strace $0x80000046;
	[dreg:$0x1] =	wrdreg $0xFFFFFFFF  }
0xad: {  	s28 =	simm.s32 $_size_execute0_lowered;
	s4 =	sadd.s32 s4, s6;
	[dreg:$0x0] =	wrdreg $0x0  }
0xae: {  	s6 =	sshll.u32 s28, $0x1;
	[dreg:$0x2] =	wrdreg s4  }
0xaf: {  	[dreg:$0x3] =	wrdreg s6  }
0xb0: {  	[dreg:$0x4] =	wrdreg $0xC0  }
0xb1: {  	_ =	task [dreg:s8], $0x5FFFF  }
0xb2: {  	[dreg:$0x1] =	wrdreg $0xFFFFFFFF  }
0xb3: {  	[dreg:$0x0] =	wrdreg $0x60  }
0xb4: {  	[dreg:$0x2] =	wrdreg s24  }
0xb5: {  	[dreg:$0x3] =	wrdreg s15  }
0xb6: {  	[dreg:$0x4] =	wrdreg s16  }
0xb7: {  	[dreg:$0x5] =	wrdreg $0x9  }
0xb8: {  	_ =	task.clear_ibuf [dreg:s8], $0x6FFFF;
	_ =	strace $0x90000046  }
0xb9: {  	s29 =	simm.s32 $0x9;
	_ =	strace $0x80000048  }
0xba: {  	_ =	swait.ge [sflag:s29], $0x1  }
0xbb: {  	[sflag:s29] =	ssyncadd.s32 $0xFFFFFFFF  }
0xbc: {  	_ =	strace $0x90000048  }
0xbd: {  	_ =	sfence  }
0xbe: {  	s30 =	sld [smem:$0x0];
	_ =	sdelay $0x2  }
0xbf: {  	s31 =	sshll.u32 s1, $0xD;
	s1 =	sshrl.u32 s1, $0x2  }
0xc0: {  	s3 =	sand.u32 $0x4000, s31;
	s1 =	sadd.s32 s1, s30  }
0xc1: {  	s0 =	sor.u32 s3, s0;
	s1 =	sshll.u32 s1, $0x11  }
0xc2: {  	s0 =	sor.u32 s1, s0  }
0xc3: {  	s0 =	sadd.s32 $0x8F2B, s0  }
0xc4: {  	[sflag:s0] =	ssyncadd.remote.s32 $0x1  }
0xc5: {  	_ =	sfence.sel $0xFFFF  }
0xc6: {  	[dreg:$0x0] =	wrdreg $0xFFFFFFFF;
	(pc) =	sbr.abs _section_cstart, $3  }
0xc7: {  	[dreg:$0x1] =	wrdreg $0xFFFFFFFF  }
0xc8: {  	_ =	task.clear_ibuf [dreg:s8], $0x2FFFF;
	_ =	strace $0x9FFFFFFF  }
0xc9: {  	(tm) =	ssettm $0x7FFFFFFF  }
tec
execute0_lowered:
.L_overlay_start_1:
0x0: {  	(tag) =	ssettag $0x1  }
0x1: {  	s4 =	rddreg [dreg:$0x0]  }
0x2: {  	s1 =	srdreg.scid;
	s0 =	stileid.u32  }
0x3: {  	s2 =	rddreg [dreg:$0x1];
	s17 =	sand.u32 $0x1, s1;
	s31 =	sshll.u32 s0, $0x1  }
0x4: {  	s20 =	rddreg [dreg:$0x2];
	s15 =	sor.u32 s17, s31  }
0x5: {  	s3 =	simm.s32 $0x0;
	s1 =	rddreg [dreg:$0x3];
	s5 =	smul.u32 $0xA, s15  }
0x6: {  	[smem:$0x7FF] =	sst s3;
	s14 =	sadd.s32 $0xA00, s4  }
0x7: {  	_ =	strace $0x80000047;
	s4 =	sadd.s32 s14, s5;
	s5 =	simm.s32 $0x2  }
0x8: {  	[tilespmem:s3], [sflag:$0x2] =	stream.linear.gather [hbm4b:s4+s3], $0x50, $0x38;
	[tilespmem:$0x2880] =	vst v63  }
0x9: {  	_ =	swait.ge [sflag:s5], $0x50  }
0xa: {  	s6 =	simm.s32 $0x50;
	[sflag:s5] =	ssyncset.done $0x0  }
0xb: {  	s7 =	simm.s32 $0x80;
	s8 =	simm.s32 $0x1;
	[sflag:s5] =	ssyncadd.s32 $0xFFFFFFB0  }
0xc: {  	[tilespmem:s7], [sflag:$0x1] =	stream.indirect.gather [hbm4b:s2+s6], $0x80, s3, s6, $0xb8;
	[tilespmem:$0x2880] =	vst v63  }
0xd: {  	s9 =	smul.u32 $0x500, s15;
	_ =	swait.ge [sflag:s8], $0x2800  }
0xe: {  	[sflag:s8] =	ssyncset.done $0x0  }
0xf: {  	s11 =	sor.u32 $0x20, s15;
	s9 =	sadd.s32 s20, s9;
	[sflag:s8] =	ssyncadd.s32 $0xFFFFD800  }
0x10: {  	[hbm4b:s9+s3] =	stream.linear.scatter [tilespmem:s7], [sflag:$0x2], $0x2800, $0x38;
	[tilespmem:$0x2880] =	vst v63  }
0x11: {  	s10 =	smul.u32 $0xA, s11;
	_ =	swait.ge [sflag:s5], $0x2800  }
0x12: {  	[sflag:s5] =	ssyncset.done $0x0  }
0x13: {  	s10 =	sadd.s32 s14, s10;
	[sflag:s5] =	ssyncadd.s32 $0xFFFFD800  }
0x14: {  	[tilespmem:s3], [sflag:$0x2] =	stream.linear.gather [hbm4b:s10+s3], $0x50, $0x38;
	[tilespmem:$0x2880] =	vst v63  }
0x15: {  	_ =	swait.ge [sflag:s5], $0x50  }
0x16: {  	[sflag:s5] =	ssyncset.done $0x0  }
0x17: {  	[sflag:s5] =	ssyncadd.s32 $0xFFFFFFB0  }
0x18: {  	[tilespmem:s7], [sflag:$0x1] =	stream.indirect.gather [hbm4b:s2+s6], $0x80, s3, s6, $0xb8;
	[tilespmem:$0x2880] =	vst v63  }
0x19: {  	s11 =	smul.u32 $0x500, s11;
	_ =	swait.ge [sflag:s8], $0x2800  }
0x1a: {  	[sflag:s8] =	ssyncset.done $0x0  }
0x1b: {  	s13 =	sor.u32 $0x40, s15;
	s11 =	sadd.s32 s20, s11;
	[sflag:s8] =	ssyncadd.s32 $0xFFFFD800  }
0x1c: {  	[hbm4b:s11+s3] =	stream.linear.scatter [tilespmem:s7], [sflag:$0x2], $0x2800, $0x38;
	[tilespmem:$0x2880] =	vst v63  }
0x1d: {  	s12 =	smul.u32 $0xA, s13;
	_ =	swait.ge [sflag:s5], $0x2800  }
0x1e: {  	[sflag:s5] =	ssyncset.done $0x0  }
0x1f: {  	s12 =	sadd.s32 s14, s12;
	[sflag:s5] =	ssyncadd.s32 $0xFFFFD800  }
0x20: {  	[tilespmem:s3], [sflag:$0x2] =	stream.linear.gather [hbm4b:s12+s3], $0x50, $0x38;
	[tilespmem:$0x2880] =	vst v63  }
0x21: {  	_ =	swait.ge [sflag:s5], $0x50  }
0x22: {  	[sflag:s5] =	ssyncset.done $0x0  }
0x23: {  	[sflag:s5] =	ssyncadd.s32 $0xFFFFFFB0  }
0x24: {  	[tilespmem:s7], [sflag:$0x1] =	stream.indirect.gather [hbm4b:s2+s6], $0x80, s3, s6, $0xb8;
	[tilespmem:$0x2880] =	vst v63  }
0x25: {  	s22 =	ssub.s32 $0x2, s17;
	s13 =	smul.u32 $0x500, s13;
	_ =	swait.ge [sflag:s8], $0x2800  }
0x26: {  	s21 =	sor.u32 $0x60, s15;
	p0 =	sgt.u32 s15, $0x1C;
	[sflag:s8] =	ssyncset.done $0x0  }
0x27: {  	s23 =	sshrl.u32 s22, $0x1;
	s13 =	sadd.s32 s20, s13;
	[sflag:s8] =	ssyncadd.s32 $0xFFFFD800  }
0x28: {  	[hbm4b:s13+s3] =	stream.linear.scatter [tilespmem:s7], [sflag:$0x2], $0x2800, $0x38;
	[tilespmem:$0x2880] =	vst v63  }
0x29: {  	s16 =	smul.u32 $0xA, s21;
	s15 =	simm.s32 @!p0 $0x2;
	_ =	swait.ge [sflag:s5], $0x2800  }
0x2a: {  	s17 =	simm.s32 @!p0 $0x1;
	s18 =	simm.s32 @!p0 $0x50;
	[sflag:s5] =	ssyncset.done $0x0  }
0x2b: {  	s14 =	sadd.s32 s14, s16;
	s16 =	simm.s32 @!p0 $0x0;
	[sflag:s5] =	ssyncadd.s32 $0xFFFFD800  }
0x2c: {  	[tilespmem:s16], [sflag:$0x2] =	stream.linear.gather @!p0 [hbm4b:s14+s16], $0x50, $0x38;
	[tilespmem:$0x2880] =	vst v63  }
0x2d: {  	s22 =	ssub.s32 s22, s23;
	s21 =	smul.u32 $0x500, s21;
	_ =	swait.ge @!p0 [sflag:s15], $0x50  }
0x2e: {  	s19 =	simm.s32 @!p0 $0x80;
	s22 =	smax.u32 s22, $0x1;
	[sflag:s15] =	ssyncset.done @!p0 $0x0  }
0x2f: {  	s20 =	sadd.s32 s20, s21;
	s21 =	sadd.s32 $0xFFFFFFFF, s22;
	[sflag:s15] =	ssyncadd.s32 @!p0 $0xFFFFFFB0  }
0x30: {  	[tilespmem:s19], [sflag:$0x1] =	stream.indirect.gather @!p0 [hbm4b:s2+s18], $0x80, s16, s18, $0xb8;
	[tilespmem:$0x2880] =	vst v63  }
0x31: {  	p1 =	sne.s32 s21, $0x0;
	_ =	swait.ge @!p0 [sflag:s17], $0x2800  }
.Ltmp0:
0x32: {  	[sflag:s17] =	ssyncset.done @!p0 $0x0;
	(pc) =	sbr.rel @!p1 .LBB2_2-.Ltmp0, $4  }
0x33: {  	[sflag:s17] =	ssyncadd.s32 @!p0 $0xFFFFD800  }
0x34: {  	[hbm4b:s20+s16] =	stream.linear.scatter @!p0 [tilespmem:s19], [sflag:$0x2], $0x2800, $0x38;
	[tilespmem:$0x2880] =	vst v63  }
0x35: {  	_ =	swait.ge @!p0 [sflag:s15], $0x2800  }
0x36: {  	[sflag:s15] =	ssyncset.done @!p0 $0x0  }
.LBB2_1:
0x37: {  	s21 =	sadd.s32 $0xFFFFFFFF, s21;
	[sflag:s15] =	ssyncadd.s32 @!p0 $0xFFFFD800  }
0x38: {  	[tilespmem:s3], [sflag:$0x2] =	stream.linear.gather [hbm4b:s4+s3], $0x50, $0x38;
	[tilespmem:$0x2880] =	vst v63  }
0x39: {  	p1 =	sne.s32 s21, $0x0;
	_ =	swait.ge [sflag:s5], $0x50  }
0x3a: {  	[sflag:s5] =	ssyncset.done $0x0  }
0x3b: {  	[sflag:s5] =	ssyncadd.s32 $0xFFFFFFB0  }
0x3c: {  	[tilespmem:s7], [sflag:$0x1] =	stream.indirect.gather [hbm4b:s2+s6], $0x80, s3, s6, $0xb8;
	[tilespmem:$0x2880] =	vst v63  }
0x3d: {  	_ =	swait.ge [sflag:s8], $0x2800  }
0x3e: {  	[sflag:s8] =	ssyncset.done $0x0  }
0x3f: {  	[sflag:s8] =	ssyncadd.s32 $0xFFFFD800  }
0x40: {  	[hbm4b:s9+s3] =	stream.linear.scatter [tilespmem:s7], [sflag:$0x2], $0x2800, $0x38;
	[tilespmem:$0x2880] =	vst v63  }
0x41: {  	_ =	swait.ge [sflag:s5], $0x2800  }
0x42: {  	[sflag:s5] =	ssyncset.done $0x0  }
0x43: {  	[sflag:s5] =	ssyncadd.s32 $0xFFFFD800  }
0x44: {  	[tilespmem:s3], [sflag:$0x2] =	stream.linear.gather [hbm4b:s10+s3], $0x50, $0x38;
	[tilespmem:$0x2880] =	vst v63  }
0x45: {  	_ =	swait.ge [sflag:s5], $0x50  }
0x46: {  	[sflag:s5] =	ssyncset.done $0x0  }
0x47: {  	[sflag:s5] =	ssyncadd.s32 $0xFFFFFFB0  }
0x48: {  	[tilespmem:s7], [sflag:$0x1] =	stream.indirect.gather [hbm4b:s2+s6], $0x80, s3, s6, $0xb8;
	[tilespmem:$0x2880] =	vst v63  }
0x49: {  	_ =	swait.ge [sflag:s8], $0x2800  }
0x4a: {  	[sflag:s8] =	ssyncset.done $0x0  }
0x4b: {  	[sflag:s8] =	ssyncadd.s32 $0xFFFFD800  }
0x4c: {  	[hbm4b:s11+s3] =	stream.linear.scatter [tilespmem:s7], [sflag:$0x2], $0x2800, $0x38;
	[tilespmem:$0x2880] =	vst v63  }
0x4d: {  	_ =	swait.ge [sflag:s5], $0x2800  }
0x4e: {  	[sflag:s5] =	ssyncset.done $0x0  }
0x4f: {  	[sflag:s5] =	ssyncadd.s32 $0xFFFFD800  }
0x50: {  	[tilespmem:s3], [sflag:$0x2] =	stream.linear.gather [hbm4b:s12+s3], $0x50, $0x38;
	[tilespmem:$0x2880] =	vst v63  }
0x51: {  	_ =	swait.ge [sflag:s5], $0x50  }
0x52: {  	[sflag:s5] =	ssyncset.done $0x0  }
0x53: {  	[sflag:s5] =	ssyncadd.s32 $0xFFFFFFB0  }
0x54: {  	[tilespmem:s7], [sflag:$0x1] =	stream.indirect.gather [hbm4b:s2+s6], $0x80, s3, s6, $0xb8;
	[tilespmem:$0x2880] =	vst v63  }
0x55: {  	_ =	swait.ge [sflag:s8], $0x2800  }
0x56: {  	[sflag:s8] =	ssyncset.done $0x0  }
0x57: {  	[sflag:s8] =	ssyncadd.s32 $0xFFFFD800  }
0x58: {  	[hbm4b:s13+s3] =	stream.linear.scatter [tilespmem:s7], [sflag:$0x2], $0x2800, $0x38;
	[tilespmem:$0x2880] =	vst v63  }
0x59: {  	_ =	swait.ge [sflag:s5], $0x2800  }
0x5a: {  	[sflag:s5] =	ssyncset.done $0x0  }
0x5b: {  	[sflag:s5] =	ssyncadd.s32 $0xFFFFD800  }
0x5c: {  	[tilespmem:s16], [sflag:$0x2] =	stream.linear.gather @!p0 [hbm4b:s14+s16], $0x50, $0x38;
	[tilespmem:$0x2880] =	vst v63  }
0x5d: {  	_ =	swait.ge @!p0 [sflag:s15], $0x50  }
0x5e: {  	[sflag:s15] =	ssyncset.done @!p0 $0x0  }
0x5f: {  	[sflag:s15] =	ssyncadd.s32 @!p0 $0xFFFFFFB0  }
0x60: {  	[tilespmem:s19], [sflag:$0x1] =	stream.indirect.gather @!p0 [hbm4b:s2+s18], $0x80, s16, s18, $0xb8;
	[tilespmem:$0x2880] =	vst v63  }
0x61: {  	_ =	swait.ge @!p0 [sflag:s17], $0x2800  }
.Ltmp1:
0x62: {  	[sflag:s17] =	ssyncset.done @!p0 $0x0;
	(pc) =	sbr.rel @p1 .LBB2_1-.Ltmp1, $4  }
0x63: {  	[sflag:s17] =	ssyncadd.s32 @!p0 $0xFFFFD800  }
0x64: {  	[hbm4b:s20+s16] =	stream.linear.scatter @!p0 [tilespmem:s19], [sflag:$0x2], $0x2800, $0x38;
	[tilespmem:$0x2880] =	vst v63  }
0x65: {  	_ =	swait.ge @!p0 [sflag:s15], $0x2800  }
0x66: {  	[sflag:s15] =	ssyncset.done @!p0 $0x0  }
.LBB2_2:
0x67: {  	[sflag:s15] =	ssyncadd.s32 @!p0 $0xFFFFD800  }
0x68: {  	_ =	sfence.sel $0x180000  }
0x69: {  	[bflag:$0x0] =	sbarrier.arrive $0xFFFF  }
0x6a: {  	p0 =	sne.s32 s0, $0x0;
	_ =	strace $0x90000047  }
0x6b: {  	s0 =	sadd.s32 @!p0 $0x100000, s1;
	[bflag:$0x2] =	sbarrier.arrive $0xFFFF  }
0x6c: {  	[sflag:s0] =	ssyncadd.tile.s32 @!p0 $0x1;
	_ =	shalt  }
.Lfunc_end2:
_tile_overlayer_lowered:
.L_overlay_start_2:
0x6d: {  	(tag) =	ssettag $0x2  }
0x6e: {  	s0 =	rddreg [dreg:$0x0];
	s2 =	stileid.u32  }
0x6f: {  	s1 =	rddreg [dreg:$0x1];
	p0 =	sne.s32 s2, $0x0  }
0x70: {  	s3 =	rddreg [dreg:$0x2];
	[bflag:$0x3] =	sbarrier.arrive $0xFFFF;
	s2 =	simm.s32 @!p0 $0x1C02  }
0x71: {  	[timem:s3], [sflag:s2] =	dma.local @!p0 [hbm:s0], s1  }
0x72: {  	s0 =	simm.s32 @!p0 $0x2  }
0x73: {  	_ =	swait.ge @!p0 [sflag:s0], s1  }
0x74: {  	s1 =	ssub.s32 @!p0 $0x0, s1;
	[sflag:s0] =	ssyncset.done @!p0 $0x0  }
0x75: {  	[sflag:s0] =	ssyncadd.s32 @!p0 s1  }
0x76: {  	[bflag:$0x3] =	sbarrier.arrive $0xFFFF  }
0x77: {  	_ =	shalt  }

</sc_bundles>
